<compile_context>
chip_gen: v7x
topology: tpu7x:2x2x1
jax: 0.10.2.dev20260603
libtpu: 0.0.44.dev20260713+nightly
codegen_flags: <defaults>
</compile_context>

<pallas_src>
import functools

import jax
import jax.numpy as jnp
from jax import lax
from jax.experimental import pallas as pl
from jax.experimental.pallas import tpu as pltpu
from jax.experimental.pallas import tpu_sc as plsc

_NUM_CORES = 2
_NUM_SUBCORES = 16
_NW = _NUM_CORES * _NUM_SUBCORES
_LANES = 16
_TABLE_PAD = 128


def _make_sc_call(n: int, n_species: int):
  chunk = ((n + _NW - 1) // _NW + _LANES - 1) // _LANES * _LANES
  assert n >= chunk and (n - chunk) % 8 == 0

  mesh = plsc.VectorSubcoreMesh(core_axis_name="c", subcore_axis_name="s")

  @functools.partial(
      pl.kernel,
      mesh=mesh,
      compiler_params=pltpu.CompilerParams(needs_layout_passes=False),
      out_type=jax.ShapeDtypeStruct((n,), jnp.float32),
      scratch_types=[
          pltpu.VMEM((chunk,), jnp.int32),
          pltpu.VMEM((chunk,), jnp.float32),
          pltpu.VMEM((chunk,), jnp.float32),
          pltpu.VMEM((_TABLE_PAD,), jnp.float32),
          pltpu.VMEM((_TABLE_PAD,), jnp.float32),
          pltpu.SemaphoreType.DMA,
          pltpu.SemaphoreType.DMA,
      ],
  )
  def scale_shift(x_hbm, z_hbm, s_hbm, t_hbm, out_hbm,
                  z_v, x_v, o_v, s_v, t_v, sem_in, sem_tab):
    wid = lax.axis_index("s") * _NUM_CORES + lax.axis_index("c")
    base = jnp.minimum(wid * chunk, n - chunk)

    cz = pltpu.async_copy(z_hbm.at[pl.ds(base, chunk)], z_v, sem_in)
    cx = pltpu.async_copy(x_hbm.at[pl.ds(base, chunk)], x_v, sem_in)
    cs = pltpu.async_copy(s_hbm, s_v.at[pl.ds(0, n_species)], sem_tab)
    ct = pltpu.async_copy(t_hbm, t_v.at[pl.ds(0, n_species)], sem_tab)
    cz.wait()
    cx.wait()
    cs.wait()
    ct.wait()

    @plsc.parallel_loop(0, chunk, _LANES, unroll=8)
    def body(i):
      sl = pl.ds(i, _LANES)
      idx = z_v[sl]
      s = plsc.load_gather(s_v, [idx])
      t = plsc.load_gather(t_v, [idx])
      o_v[sl] = s * x_v[sl] + t

    pltpu.sync_copy(o_v, out_hbm.at[pl.ds(base, chunk)])

  return scale_shift


def kernel(x, Z, scale, shift):
  n = x.shape[0]
  out = _make_sc_call(n, scale.shape[0])(
      x.reshape(-1), Z.astype(jnp.int32), scale.reshape(-1),
      shift.reshape(-1))
  return out.reshape(n, 1)

# --- scband reference (transcript-rebuilt; emitter-appended) ---
"""Pipeline reference for scband-per-element-scale-shift-31593779429637 (READ-ONLY COPY).

The authoritative reference and input builder live on the scoring server;
editing this copy changes nothing except your own understanding.
"""

import jax, jax.numpy as jnp
import numpy as np

N_ATOMS = 100000
N_SPECIES = 119

def setup_inputs(seed: int = 0) -> dict:
    key = jax.random.key(seed)
    k1, k2 = jax.random.split(key)
    x = jax.random.normal(k1, (N_ATOMS, 1), dtype=jnp.float32)
    Z = jax.random.randint(k2, (N_ATOMS,), 0, N_SPECIES, dtype=jnp.int64 if jax.config.jax_enable_x64 else jnp.int32)
    # learned parameters per module __init__: scale init Constant(1.0), shift init Constant(zeros)
    scale = jnp.ones((N_SPECIES, 1), dtype=jnp.float32)
    shift = jnp.zeros((N_SPECIES, 1), dtype=jnp.float32)
    return {"x": x, "Z": Z, "scale": scale, "shift": shift}

def reference(x, Z, scale, shift):
    # out = scale[Z] * x + shift[Z]  (gather of per-species params, broadcast over feature dim)
    out = jnp.take(scale, Z, axis=0) * x + jnp.take(shift, Z, axis=0)
    return out

if __name__ == "__main__":
    import jax
    _d = setup_inputs()
    print(jax.jit(kernel)(*tuple(_d.values())))

</pallas_src>

<mosaic_0001>
#map = affine_map<(d0, d1) -> (0)>
module attributes {stable_mosaic.version = 14 : i64} {
  func.func @scale_shift(%arg0: i32, %arg1: i32, %arg2: memref<100000xf32, #tpu.memory_space<hbm>>, %arg3: memref<100000xi32, #tpu.memory_space<hbm>>, %arg4: memref<119xf32, #tpu.memory_space<hbm>>, %arg5: memref<119xf32, #tpu.memory_space<hbm>>, %arg6: memref<100000xf32, #tpu.memory_space<hbm>>, %arg7: memref<3136xi32, #tpu.memory_space<vmem>>, %arg8: memref<3136xf32, #tpu.memory_space<vmem>>, %arg9: memref<3136xf32, #tpu.memory_space<vmem>>, %arg10: memref<128xf32, #tpu.memory_space<vmem>>, %arg11: memref<128xf32, #tpu.memory_space<vmem>>, %arg12: memref<!tpu.dma_semaphore, #tpu.memory_space<semaphore_mem>>, %arg13: memref<!tpu.dma_semaphore, #tpu.memory_space<semaphore_mem>>) attributes {dimension_semantics = [#tpu.dimension_semantics<core_parallel>, #tpu.dimension_semantics<subcore_parallel>], iteration_bounds = array<i64: 2, 16>, scalar_prefetch = 0 : i64, scratch_operands = 7 : i64, tpu.core_type = #tpu.core_type<sc_vector_subcore>, window_params = [{transform_indices = #map}, {transform_indices = #map}, {transform_indices = #map}, {transform_indices = #map}, {transform_indices = #map}]} {
    %mul3A = arith.constant 2 : i32
    %mul3A_0 = arith.muli %arg1, %mul3A : i32
    %add3A = arith.addi %mul3A_0, %arg0 : i32
    %mul3A_1 = arith.constant 3136 : i32
    %mul3A_2 = arith.muli %add3A, %mul3A_1 : i32
    %min3A = arith.constant 96864 : i32
    %min3A_3 = arith.minsi %mul3A_2, %min3A : i32
    %dma_start3A = tpu.memref_slice %arg3[%min3A_3] : memref<100000xi32, #tpu.memory_space<hbm>> -> memref<3136xi32, #tpu.memory_space<hbm>>
    %dma_start3A_4 = tpu.memref_slice %arg3[%min3A_3] : memref<100000xi32, #tpu.memory_space<hbm>> -> memref<3136xi32, #tpu.memory_space<hbm>>
    tpu.enqueue_dma source(%dma_start3A_4 : memref<3136xi32, #tpu.memory_space<hbm>>) target(%arg7 : memref<3136xi32, #tpu.memory_space<vmem>>) target_semaphore(%arg12 : memref<!tpu.dma_semaphore, #tpu.memory_space<semaphore_mem>>)
    %dma_start3A_5 = tpu.memref_slice %arg2[%min3A_3] : memref<100000xf32, #tpu.memory_space<hbm>> -> memref<3136xf32, #tpu.memory_space<hbm>>
    %dma_start3A_6 = tpu.memref_slice %arg2[%min3A_3] : memref<100000xf32, #tpu.memory_space<hbm>> -> memref<3136xf32, #tpu.memory_space<hbm>>
    tpu.enqueue_dma source(%dma_start3A_6 : memref<3136xf32, #tpu.memory_space<hbm>>) target(%arg8 : memref<3136xf32, #tpu.memory_space<vmem>>) target_semaphore(%arg12 : memref<!tpu.dma_semaphore, #tpu.memory_space<semaphore_mem>>)
    %dma_start3A_7 = arith.constant 0 : i32
    %dma_start3A_8 = tpu.memref_slice %arg10[%dma_start3A_7] : memref<128xf32, #tpu.memory_space<vmem>> -> memref<119xf32, #tpu.memory_space<vmem>>
    %dma_start3A_9 = arith.constant 0 : i32
    %dma_start3A_10 = tpu.memref_slice %arg10[%dma_start3A_9] : memref<128xf32, #tpu.memory_space<vmem>> -> memref<119xf32, #tpu.memory_space<vmem>>
    tpu.enqueue_dma source(%arg4 : memref<119xf32, #tpu.memory_space<hbm>>) target(%dma_start3A_10 : memref<119xf32, #tpu.memory_space<vmem>>) target_semaphore(%arg13 : memref<!tpu.dma_semaphore, #tpu.memory_space<semaphore_mem>>)
    %dma_start3A_11 = arith.constant 0 : i32
    %dma_start3A_12 = tpu.memref_slice %arg11[%dma_start3A_11] : memref<128xf32, #tpu.memory_space<vmem>> -> memref<119xf32, #tpu.memory_space<vmem>>
    %dma_start3A_13 = arith.constant 0 : i32
    %dma_start3A_14 = tpu.memref_slice %arg11[%dma_start3A_13] : memref<128xf32, #tpu.memory_space<vmem>> -> memref<119xf32, #tpu.memory_space<vmem>>
    tpu.enqueue_dma source(%arg5 : memref<119xf32, #tpu.memory_space<hbm>>) target(%dma_start3A_14 : memref<119xf32, #tpu.memory_space<vmem>>) target_semaphore(%arg13 : memref<!tpu.dma_semaphore, #tpu.memory_space<semaphore_mem>>)
    %dma_wait3A = tpu.memref_slice %arg3[%min3A_3] : memref<100000xi32, #tpu.memory_space<hbm>> -> memref<3136xi32, #tpu.memory_space<hbm>>
    %dma_wait3A_15 = tpu.memref_slice %arg3[%min3A_3] : memref<100000xi32, #tpu.memory_space<hbm>> -> memref<3136xi32, #tpu.memory_space<hbm>>
    tpu.wait_dma2 semaphore(%arg12 : memref<!tpu.dma_semaphore, #tpu.memory_space<semaphore_mem>>) src(%dma_wait3A_15 : memref<3136xi32, #tpu.memory_space<hbm>>) dst(%arg7 : memref<3136xi32, #tpu.memory_space<vmem>>)
    %dma_wait3A_16 = tpu.memref_slice %arg2[%min3A_3] : memref<100000xf32, #tpu.memory_space<hbm>> -> memref<3136xf32, #tpu.memory_space<hbm>>
    %dma_wait3A_17 = tpu.memref_slice %arg2[%min3A_3] : memref<100000xf32, #tpu.memory_space<hbm>> -> memref<3136xf32, #tpu.memory_space<hbm>>
    tpu.wait_dma2 semaphore(%arg12 : memref<!tpu.dma_semaphore, #tpu.memory_space<semaphore_mem>>) src(%dma_wait3A_17 : memref<3136xf32, #tpu.memory_space<hbm>>) dst(%arg8 : memref<3136xf32, #tpu.memory_space<vmem>>)
    %dma_wait3A_18 = arith.constant 0 : i32
    %dma_wait3A_19 = tpu.memref_slice %arg10[%dma_wait3A_18] : memref<128xf32, #tpu.memory_space<vmem>> -> memref<119xf32, #tpu.memory_space<vmem>>
    %dma_wait3A_20 = arith.constant 0 : i32
    %dma_wait3A_21 = tpu.memref_slice %arg10[%dma_wait3A_20] : memref<128xf32, #tpu.memory_space<vmem>> -> memref<119xf32, #tpu.memory_space<vmem>>
    tpu.wait_dma2 semaphore(%arg13 : memref<!tpu.dma_semaphore, #tpu.memory_space<semaphore_mem>>) src(%arg4 : memref<119xf32, #tpu.memory_space<hbm>>) dst(%dma_wait3A_21 : memref<119xf32, #tpu.memory_space<vmem>>)
    %dma_wait3A_22 = arith.constant 0 : i32
    %dma_wait3A_23 = tpu.memref_slice %arg11[%dma_wait3A_22] : memref<128xf32, #tpu.memory_space<vmem>> -> memref<119xf32, #tpu.memory_space<vmem>>
    %dma_wait3A_24 = arith.constant 0 : i32
    %dma_wait3A_25 = tpu.memref_slice %arg11[%dma_wait3A_24] : memref<128xf32, #tpu.memory_space<vmem>> -> memref<119xf32, #tpu.memory_space<vmem>>
    tpu.wait_dma2 semaphore(%arg13 : memref<!tpu.dma_semaphore, #tpu.memory_space<semaphore_mem>>) src(%arg5 : memref<119xf32, #tpu.memory_space<hbm>>) dst(%dma_wait3A_25 : memref<119xf32, #tpu.memory_space<vmem>>)
    %parallel_loop3A = arith.constant 0 : i32
    %parallel_loop3A_26 = arith.constant 3136 : i32
    %parallel_loop3A_27 = arith.constant 16 : i32
    scf.for %parallel_loop3A_28 = %parallel_loop3A to %parallel_loop3A_26 step %parallel_loop3A_27  : i32 {
      %parallel_loop3A_29 = arith.index_cast %parallel_loop3A_28 : i32 to index
      %parallel_loop3A_30 = tpu.vector_load %arg7[%parallel_loop3A_29] {strides = array<i32>} : memref<3136xi32, #tpu.memory_space<vmem>>, vector<16xi32>,
      %parallel_loop3A_31 = tpu.vector_load_idx %arg10[%parallel_loop3A_30] : memref<128xf32, #tpu.memory_space<vmem>>[vector<16xi32>], vector<16xf32>,
      %parallel_loop3A_32 = tpu.vector_load_idx %arg11[%parallel_loop3A_30] : memref<128xf32, #tpu.memory_space<vmem>>[vector<16xi32>], vector<16xf32>,
      %parallel_loop3A_33 = arith.index_cast %parallel_loop3A_28 : i32 to index
      %parallel_loop3A_34 = tpu.vector_load %arg8[%parallel_loop3A_33] {strides = array<i32>} : memref<3136xf32, #tpu.memory_space<vmem>>, vector<16xf32>,
      %parallel_loop3A_35 = arith.mulf %parallel_loop3A_31, %parallel_loop3A_34 : vector<16xf32>
      %parallel_loop3A_36 = arith.addf %parallel_loop3A_35, %parallel_loop3A_32 : vector<16xf32>
      %parallel_loop3A_37 = arith.index_cast %parallel_loop3A_28 : i32 to index
      %parallel_loop3A_38 = tpu.vector_load %arg9[%parallel_loop3A_37] {strides = array<i32>} : memref<3136xf32, #tpu.memory_space<vmem>>, vector<16xf32>,
      tpu.vector_store %arg9[%parallel_loop3A_37], %parallel_loop3A_36 {strides = array<i32>} : memref<3136xf32, #tpu.memory_space<vmem>>, vector<16xf32>,
    } {sc.loop_unroll_factor = 8 : i64, sc.parallel_access}
    "tpu.region"() ({
      %run_scoped3A = tpu.sem_alloc : memref<!tpu.dma_semaphore, #tpu.memory_space<semaphore_mem>>
      %dma_start3A_28 = tpu.memref_slice %arg6[%min3A_3] : memref<100000xf32, #tpu.memory_space<hbm>> -> memref<3136xf32, #tpu.memory_space<hbm>>
      %dma_start3A_29 = tpu.memref_slice %arg6[%min3A_3] : memref<100000xf32, #tpu.memory_space<hbm>> -> memref<3136xf32, #tpu.memory_space<hbm>>
      tpu.enqueue_dma source(%arg9 : memref<3136xf32, #tpu.memory_space<vmem>>) target(%dma_start3A_29 : memref<3136xf32, #tpu.memory_space<hbm>>) target_semaphore(%run_scoped3A : memref<!tpu.dma_semaphore, #tpu.memory_space<semaphore_mem>>)
      %dma_wait3A_30 = tpu.memref_slice %arg6[%min3A_3] : memref<100000xf32, #tpu.memory_space<hbm>> -> memref<3136xf32, #tpu.memory_space<hbm>>
      %dma_wait3A_31 = tpu.memref_slice %arg6[%min3A_3] : memref<100000xf32, #tpu.memory_space<hbm>> -> memref<3136xf32, #tpu.memory_space<hbm>>
      tpu.wait_dma2 semaphore(%run_scoped3A : memref<!tpu.dma_semaphore, #tpu.memory_space<semaphore_mem>>) src(%arg9 : memref<3136xf32, #tpu.memory_space<vmem>>) dst(%dma_wait3A_31 : memref<3136xf32, #tpu.memory_space<hbm>>)
      tpu.yield
    }) : () -> ()
    return
  }
}

</mosaic_0001>

<sc_bundles>
// kernel: kernel.3.cloned.1.call-start
scs
__scs_entry_jumppad:
0x0: {  	(pc) =	sbr.rel $0x88, $3  }
0x1: {  	(tag) =	ssettag $0x0;
	lr =	simm.s32 $0x1  }
0x2: {  	[smem:$0x3F9D] =	sst lr;
	_ =	strace $0xD0000000  }
0x3: {  	_ = 	snop  }
0x4: {  	_ = 	snop  }
0x5: {  	_ = 	snop  }
0x6: {  	_ = 	snop  }
0x7: {  	_ = 	snop  }
__scs_overlays_trampoline_lowered:
0x8: {  	[smem:$0x3FAC] =	sst s0  }
0x9: {  	[smem:$0x3FAD] =	sst s1  }
0xa: {  	[smem:$0x3FAE] =	sst s2  }
0xb: {  	[smem:$0x3FAF] =	sst s3  }
0xc: {  	[smem:$0x3FB0] =	sst s4  }
0xd: {  	[smem:$0x3FB1] =	sst s5  }
0xe: {  	[smem:$0x3FB2] =	sst s6  }
0xf: {  	[smem:$0x3FB3] =	sst s7  }
0x10: {  	[smem:$0x3FB4] =	sst s8  }
0x11: {  	[smem:$0x3FB5] =	sst s9;
	s0 =	simm.s32 @!p0 $0x0  }
0x12: {  	s1 =	sld [smem:$0x3F9B];
	s0 =	simm.s32 @p0 $0x1  }
0x13: {  	[smem:$0x3FB6] =	sst s0;
	s0 =	simm.s32 @!p1 $0x0  }
0x14: {  	s2 =	sld [smem:$0x3F9A];
	s0 =	simm.s32 @p1 $0x1  }
0x15: {  	[smem:$0x3FB7] =	sst s0;
	s0 =	simm.s32 @!p2 $0x0  }
0x16: {  	s3 =	sld [smem:$0x3FDB];
	s0 =	simm.s32 @p2 $0x1  }
0x17: {  	s4 =	simm.s32 $0x1BF5;
	[smem:$0x3FB9] =	sst s0  }
0x18: {  	s0 =	sld [smem:$0x3F9C];
	_ =	swait.ge [sflag:s4], $0x0  }
0x19: {  	s7 =	sld [smem:$0x3F9D]  }
0x1a: {  	s8 =	sadd.s32 $0xFFFFE003, lr  }
0x1b: {  	s9 =	sadd.s32 $0xFFFFFEF7, lr;
	s5 =	simm.s32 $0xFFFFFFFF;
	p2 =	slt.u32 s8, $0xFFFFF086  }
0x1c: {  	p1 =	slt.u32 s9, $0xF7A;
	s5 =	simm.s32 @!p2 $0x0  }
0x1d: {  	s5 =	simm.s32 @p1 $0x1;
	p0 =	seq.s32 s7, s2  }
0x1e: {  	s7 =	smul.u32 @!p0 $0xF7A, s2;
	p2 =	seq.s32 @!p0 s5, $0x0  }
0x1f: {  	s9 =	smul.u32 $0xF7A, s1;
	s8 =	simm.s32 @!p0 $0x1BF5;
	p2 =	por !p2, p0  }
0x20: {  	[sflag:s8] =	ssyncset.s32 @!p0 $0xFFFFF086;
	s6 =	sadd.s32 @!p0 s3, s7;
	s7 =	simm.s32 @!p0 $0x108  }
0x21: {  	s3 =	sadd.s32 s3, s9;
	s6 =	sadd.s32 @!p0 $0x88, s6;
	s7 =	simm.s32 @p2 $0x1082  }
0x22: {  	[simem:s7], [sflag:s8] =	dma.local @!p0 [hbm:s6], $0xF7A  }
0x23: {  	s9 =	sor.u32 $0xD0000000, s2;
	s6 =	simm.s32 $0x108;
	_ =	swait.ge @!p0 [sflag:s8], $0x0  }
0x24: {  	s3 =	sadd.s32 $0x88, s3;
	s6 =	simm.s32 @!p1 $0x1082;
	[sflag:s4] =	ssyncset.s32 $0xFFFFF086  }
0x25: {  	[simem:s6], [sflag:s4] =	dma.local [hbm:s3], $0xF7A  }
0x26: {  	[smem:$0x3F9D] =	sst s1;
	(tag) =	ssettag s2;
	_ =	strace s9  }
0x27: {  	s1 =	sld [smem:$0x3FAD]  }
0x28: {  	s2 =	sld [smem:$0x3FAE]  }
0x29: {  	s4 =	sld [smem:$0x3FB0]  }
0x2a: {  	p0 =	seq.s32 s5, $0x0;
	s5 =	sld [smem:$0x3FB1]  }
0x2b: {  	s6 =	sld [smem:$0x3FB2]  }
0x2c: {  	s7 =	sld [smem:$0x3FB3]  }
0x2d: {  	s3 =	simm.s32 $0x108;
	s8 =	sld [smem:$0x3FB4]  }
0x2e: {  	s3 =	simm.s32 @!p0 $0x1082;
	s9 =	sld [smem:$0x3FB5]  }
0x2f: {  	lr =	sadd.s32 s0, s3;
	s0 =	sld [smem:$0x3FAC]  }
0x30: {  	s3 =	sld [smem:$0x3FAF]  }
0x31: {  	[smem:$0x3FB8] =	sst s10  }
0x32: {  	s10 =	sld [smem:$0x3FB6];
	_ =	sdelay $0x3  }
0x33: {  	p0 =	seq.s32 s10, $0x1;
	s10 =	sld [smem:$0x3FB8];
	_ =	sdelay $0x3  }
0x34: {  	[smem:$0x3FB8] =	sst s10  }
0x35: {  	s10 =	sld [smem:$0x3FB7];
	_ =	sdelay $0x3  }
0x36: {  	p1 =	seq.s32 s10, $0x1;
	s10 =	sld [smem:$0x3FB8];
	_ =	sdelay $0x3  }
0x37: {  	[smem:$0x3FB8] =	sst s10  }
0x38: {  	s10 =	sld [smem:$0x3FB9]  }
0x39: {  	_ = 	snop;
	(pc) =	sbr.ind lr, $3  }
0x3a: {  	_ = 	snop  }
0x3b: {  	_ = 	snop  }
0x3c: {  	p2 =	seq.s32 s10, $0x1;
	s10 =	sld [smem:$0x3FB8]  }
0x3d: {  	_ =	shalt  }
0x3e: {  	_ =	shalt  }
0x3f: {  	_ =	shalt  }
0x40: {  	_ =	shalt  }
0x41: {  	_ =	shalt  }
0x42: {  	_ =	shalt  }
0x43: {  	_ =	shalt  }
0x44: {  	_ =	shalt  }
0x45: {  	_ =	shalt  }
0x46: {  	_ =	shalt  }
0x47: {  	_ =	shalt  }
0x48: {  	_ =	shalt  }
0x49: {  	_ =	shalt  }
0x4a: {  	_ =	shalt  }
0x4b: {  	_ =	shalt  }
0x4c: {  	_ =	shalt  }
0x4d: {  	_ =	shalt  }
0x4e: {  	_ =	shalt  }
0x4f: {  	_ =	shalt  }
0x50: {  	_ =	shalt  }
0x51: {  	_ =	shalt  }
0x52: {  	_ =	shalt  }
0x53: {  	_ =	shalt  }
0x54: {  	_ =	shalt  }
0x55: {  	_ =	shalt  }
0x56: {  	_ =	shalt  }
0x57: {  	_ =	shalt  }
0x58: {  	_ =	shalt  }
0x59: {  	_ =	shalt  }
0x5a: {  	_ =	shalt  }
0x5b: {  	_ =	shalt  }
0x5c: {  	_ =	shalt  }
0x5d: {  	_ =	shalt  }
0x5e: {  	_ =	shalt  }
0x5f: {  	_ =	shalt  }
0x60: {  	_ =	shalt  }
0x61: {  	_ =	shalt  }
0x62: {  	_ =	shalt  }
0x63: {  	_ =	shalt  }
0x64: {  	_ =	shalt  }
0x65: {  	_ =	shalt  }
0x66: {  	_ =	shalt  }
0x67: {  	_ =	shalt  }
0x68: {  	_ =	shalt  }
0x69: {  	_ =	shalt  }
0x6a: {  	_ =	shalt  }
0x6b: {  	_ =	shalt  }
0x6c: {  	_ =	shalt  }
0x6d: {  	_ =	shalt  }
0x6e: {  	_ =	shalt  }
0x6f: {  	_ =	shalt  }
0x70: {  	_ =	shalt  }
0x71: {  	_ =	shalt  }
0x72: {  	_ =	shalt  }
0x73: {  	_ =	shalt  }
0x74: {  	_ =	shalt  }
0x75: {  	_ =	shalt  }
0x76: {  	_ =	shalt  }
0x77: {  	_ =	shalt  }
0x78: {  	_ =	shalt  }
0x79: {  	_ =	shalt  }
0x7a: {  	_ =	shalt  }
0x7b: {  	_ =	shalt  }
0x7c: {  	_ =	shalt  }
0x7d: {  	_ =	shalt  }
0x7e: {  	_ =	shalt  }
0x7f: {  	_ =	shalt  }
0x80: {  	_ =	shalt  }
0x81: {  	_ =	shalt  }
0x82: {  	_ =	shalt  }
0x83: {  	_ =	shalt  }
0x84: {  	_ =	shalt  }
0x85: {  	_ =	shalt  }
0x86: {  	_ =	shalt  }
0x87: {  	_ =	shalt  }
.Lfunc_end0:
.L_simem_size_0:
called_computation_lowered:
.L_overlay_start_0:
0x88: {  	s2 =	sld [smem:$0x3FD9]  }
0x89: {  	s3 =	sld [smem:$0x3FFE];
	_ =	sdelay $0x1  }
0x8a: {  	s1 =	srdreg.scid  }
0x8b: {  	s0 =	sand.u32 $0x1, s1  }
0x8c: {  	s17 =	sshll.u32 s0, $0xA;
	s2 =	sadd.s32 s3, s2  }
0x8d: {  	s2 =	sadd.s32 s2, s17  }
0x8e: {  	[smem:$0x3FC4] =	sst s2  }
0x8f: {  	_ = 	snop  }
0x90: {  	s2 =	sld [smem:$0x3FC8]  }
0x91: {  	s18 =	sld [smem:$0x3FC7]  }
0x92: {  	s4 =	sld [smem:$0x3FC6];
	(tm) =	ssettm $0x1  }
0x93: {  	s5 =	sld [smem:$0x3FFB];
	_ =	sdelay $0x3  }
0x94: {  	_ =	strace s5  }
0x95: {  	s5 =	sld [smem:$0x3FFC];
	_ =	sdelay $0x3  }
0x96: {  	_ =	strace s5  }
0x97: {  	s5 =	sld [smem:$0x3FFD];
	_ =	sdelay $0x3  }
0x98: {  	_ =	strace s5  }
0x99: {  	_ =	strace $0x8FFFFFFF  }
0x9a: {  	s19 =	sld [smem:$0x3FDB];
	_ =	sdelay $0x1  }
0x9b: {  	s6 =	simm.s32 $_scs_section_size  }
0x9c: {  	s7 =	simm.s32 $_size__tile_overlayer_lowered;
	s8 =	simm.s32 $_tile_overlayer_lowered  }
0x9d: {  	s22 =	simm.s32 $0x1BFF;
	s21 =	sshll.u32 s8, $0x1;
	s5 =	sadd.s32 s6, s19  }
0x9e: {  	s9 =	simm.s32 $0x0;
	s20 =	sshll.u32 s7, $0x1;
	s7 =	sadd.s32 s21, s5  }
0x9f: {  	[timem:s9], [sflag:s22] =	dma.local [hbm:s7], s20  }
0xa0: {  	_ =	swait.ge [sflag:s22], s20  }
0xa1: {  	s6 =	ssub.s32 $0x0, s20;
	[sflag:s22] =	ssyncset.done $0x0  }
0xa2: {  	[sflag:s22] =	ssyncadd.s32 s6;
	_ =	sdelay $0x1  }
0xa3: {  	s23 =	simm.s32 $0x1B8B  }
0xa4: {  	_ =	swait.ge [sflag:s23], $0x1  }
0xa5: {  	[sflag:s23] =	ssyncset.done $0x0  }
0xa6: {  	s25 =	simm.s32 $0x1B8E;
	s24 =	sld [smem:$0x3FFE];
	[sflag:s23] =	ssyncadd.s32 $0xFFFFFFFF  }
0xa7: {  	s26 =	simm.s32 $execute0_lowered;
	[smem:$0x3FD2] =	sst s25  }
0xa8: {  	s7 =	sshll.u32 s26, $0x1;
	_ =	strace $0x80000046;
	[dreg:$0x1] =	wrdreg $0xFFFFFFFF  }
0xa9: {  	s28 =	simm.s32 $_size_execute0_lowered;
	s5 =	sadd.s32 s5, s7;
	[dreg:$0x0] =	wrdreg $0x0  }
0xaa: {  	s7 =	sshll.u32 s28, $0x1;
	[dreg:$0x2] =	wrdreg s5  }
0xab: {  	[dreg:$0x3] =	wrdreg s7  }
0xac: {  	[dreg:$0x4] =	wrdreg $0xC0  }
0xad: {  	_ =	task [dreg:s9], $0x5FFFF  }
0xae: {  	[dreg:$0x1] =	wrdreg $0xFFFFFFFF  }
0xaf: {  	[dreg:$0x0] =	wrdreg $0x60  }
0xb0: {  	[dreg:$0x2] =	wrdreg s24  }
0xb1: {  	[dreg:$0x3] =	wrdreg s2  }
0xb2: {  	[dreg:$0x4] =	wrdreg s18  }
0xb3: {  	[dreg:$0x5] =	wrdreg s4  }
0xb4: {  	[dreg:$0x6] =	wrdreg $0x9  }
0xb5: {  	_ =	task.clear_ibuf [dreg:s9], $0x7FFFF;
	_ =	strace $0x90000046  }
0xb6: {  	s29 =	simm.s32 $0x9;
	_ =	strace $0x80000048  }
0xb7: {  	_ =	swait.ge [sflag:s29], $0x1  }
0xb8: {  	[sflag:s29] =	ssyncadd.s32 $0xFFFFFFFF  }
0xb9: {  	_ =	strace $0x90000048  }
0xba: {  	_ =	sfence  }
0xbb: {  	s30 =	sld [smem:$0x0];
	_ =	sdelay $0x2  }
0xbc: {  	s31 =	sshll.u32 s1, $0xD;
	s1 =	sshrl.u32 s1, $0x2  }
0xbd: {  	s3 =	sand.u32 $0x4000, s31;
	s1 =	sadd.s32 s1, s30  }
0xbe: {  	s0 =	sor.u32 s3, s0;
	s1 =	sshll.u32 s1, $0x11  }
0xbf: {  	s0 =	sor.u32 s1, s0  }
0xc0: {  	s0 =	sadd.s32 $0x8F2B, s0  }
0xc1: {  	[sflag:s0] =	ssyncadd.remote.s32 $0x1  }
0xc2: {  	_ =	sfence.sel $0xFFFF  }
0xc3: {  	[dreg:$0x0] =	wrdreg $0xFFFFFFFF;
	(pc) =	sbr.abs _section_cstart, $3  }
0xc4: {  	[dreg:$0x1] =	wrdreg $0xFFFFFFFF  }
0xc5: {  	_ =	task.clear_ibuf [dreg:s9], $0x2FFFF;
	_ =	strace $0x9FFFFFFF  }
0xc6: {  	(tm) =	ssettm $0x7FFFFFFF  }
0xc7: {  	_ =	shalt  }
tec
execute0_lowered:
.L_overlay_start_1:
0x0: {  	(tag) =	ssettag $0x1  }
0x1: {  	s5 =	rddreg [dreg:$0x0]  }
0x2: {  	s7 =	rddreg [dreg:$0x1]  }
0x3: {  	s1 =	srdreg.scid;
	s2 =	rddreg [dreg:$0x2]  }
0x4: {  	s0 =	stileid.u32;
	s3 =	rddreg [dreg:$0x3];
	s4 =	simm.s32 $0x0  }
0x5: {  	s10 =	simm.s32 $0x2580;
	s6 =	sand.u32 $0x1, s1;
	s31 =	sshll.u32 s0, $0x1  }
0x6: {  	s11 =	simm.s32 $0x2600;
	s12 =	simm.s32 $0x1;
	s1 =	sor.u32 s6, s31  }
0x7: {  	s13 =	simm.s32 $0x2;
	s14 =	simm.s32 $0x1900;
	s8 =	smul.u32 $0xC40, s1  }
0x8: {  	s15 =	simm.s32 $0x3;
	s16 =	simm.s32 $0x0;
	[smem:$0x7FF] =	sst s4  }
0x9: {  	s6 =	ssub.s32 $0x2, s6;
	s1 =	rddreg [dreg:$0x4];
	s8 =	smin.u32 s8, $0x17A60  }
0xa: {  	_ =	strace $0x80000047;
	s9 =	sshrl.u32 s6, $0x1;
	s8 =	sshrl.u32 s8, $0x3  }
0xb: {  	s9 =	ssub.s32 s6, s9;
	s5 =	sadd.s32 s5, s8;
	s6 =	sadd.s32 s7, s8  }
0xc: {  	s8 =	smax.u32 s9, $0x1;
	s9 =	simm.s32 $0xC80;
	s7 =	sadd.s32 $0x3200, s5  }
.LBB2_1:
0xd: {  	[tilespmem:s4], [sflag:$0x1] =	stream.linear.gather [hbm4b:s6+s4], $0xC40, $0x38;
	[tilespmem:$0x2680] =	vst v63  }
0xe: {  	_ = 	snop  }
0xf: {  	[tilespmem:s9], [sflag:$0x1] =	stream.linear.gather [hbm4b:s5+s4], $0xC40, $0x38;
	[tilespmem:$0x2680] =	vst v63  }
0x10: {  	_ = 	snop  }
0x11: {  	[tilespmem:s10], [sflag:$0x2] =	stream.linear.gather [hbm4b:s2+s4], $0x77, $0x38;
	[tilespmem:$0x2680] =	vst v63  }
0x12: {  	_ = 	snop  }
0x13: {  	[tilespmem:s11], [sflag:$0x2] =	stream.linear.gather [hbm4b:s3+s4], $0x77, $0x38;
	[tilespmem:$0x2680] =	vst v63  }
0x14: {  	_ =	swait.ge [sflag:s12], $0xC40  }
0x15: {  	[sflag:s12] =	ssyncset.done $0x0  }
0x16: {  	[sflag:s12] =	ssyncadd.s32 $0xFFFFF3C0  }
0x17: {  	_ =	swait.ge [sflag:s12], $0xC40  }
0x18: {  	[sflag:s12] =	ssyncset.done $0x0  }
0x19: {  	[sflag:s12] =	ssyncadd.s32 $0xFFFFF3C0  }
0x1a: {  	_ =	swait.ge [sflag:s13], $0x77  }
0x1b: {  	[sflag:s13] =	ssyncset.done $0x0  }
0x1c: {  	[sflag:s13] =	ssyncadd.s32 $0xFFFFFF89  }
0x1d: {  	_ =	swait.ge [sflag:s13], $0x77  }
0x1e: {  	[sflag:s13] =	ssyncset.done $0x0  }
0x1f: {  	s17 =	simm.s32 $0x40;
	[sflag:s13] =	ssyncadd.s32 $0xFFFFFF89  }
0x20: {  	v0 =	vld [tilespmem:s17+$0x30]  }
0x21: {  	v1 =	vld [tilespmem:s17+$0xFFFFFFD0]  }
0x22: {  	v2 =	vld [tilespmem:s17+$0xFFFFFFE0]  }
0x23: {  	v3 =	vld [tilespmem:s17+$0xFFFFFFF0]  }
0x24: {  	v4 =	vld [tilespmem:s17+$0x0]  }
0x25: {  	v8 =	vld [tilespmem:s17+$0x10]  }
0x26: {  	v11 =	vld [tilespmem:s17+$0x20]  }
0x27: {  	v5 =	vld [tilespmem:s17+$0xFFFFFFC0];
	s17 =	simm.s32 $0xCC0  }
0x28: {  	v7 =	vld [tilespmem:s17+$0x30]  }
0x29: {  	v18 =	vld [tilespmem:s17+$0xFFFFFFC0]  }
0x2a: {  	v19 =	vld [tilespmem:s17+$0xFFFFFFD0]  }
0x2b: {  	v20 =	vld [tilespmem:s17+$0xFFFFFFE0]  }
0x2c: {  	v21 =	vld [tilespmem:s17+$0xFFFFFFF0]  }
0x2d: {  	v22 =	vld [tilespmem:s17+$0x0]  }
0x2e: {  	v23 =	vld [tilespmem:s17+$0x10]  }
0x2f: {  	v24 =	vld [tilespmem:s17+$0x20]  }
0x30: {  	v6 =	vld.idx.msk [tilespmem:v0+s10+$0x0], $0xffff  }
0x31: {  	v9 =	vld.idx.msk [tilespmem:v0+s11+$0x0], $0xffff  }
0x32: {  	v10 =	vld.idx.msk [tilespmem:v1+s10+$0x0], $0xffff  }
0x33: {  	v12 =	vld.idx.msk [tilespmem:v2+s10+$0x0], $0xffff  }
0x34: {  	v13 =	vld.idx.msk [tilespmem:v3+s10+$0x0], $0xffff  }
0x35: {  	v14 =	vld.idx.msk [tilespmem:v4+s10+$0x0], $0xffff  }
0x36: {  	v15 =	vld.idx.msk [tilespmem:v5+s10+$0x0], $0xffff  }
0x37: {  	v16 =	vld.idx.msk [tilespmem:v8+s10+$0x0], $0xffff  }
0x38: {  	v17 =	vld.idx.msk [tilespmem:v11+s10+$0x0], $0xffff  }
0x39: {  	v25 =	vld.idx.msk [tilespmem:v5+s11+$0x0], $0xffff  }
0x3a: {  	v0 =	vld.idx.msk [tilespmem:v2+s11+$0x0], $0xffff  }
0x3b: {  	v2 =	vld.idx.msk [tilespmem:v3+s11+$0x0], $0xffff  }
0x3c: {  	v5 =	vmul.f32 v7, v6;
	v7 =	vld.idx.msk [tilespmem:v1+s11+$0x0], $0xffff  }
0x3d: {  	v3 =	vld.idx.msk [tilespmem:v4+s11+$0x0], $0xffff;
	v15 =	vmul.f32 v18, v15  }
0x3e: {  	s22 =	simm.s32 $0x1940;
	v11 =	vld.idx.msk [tilespmem:v11+s11+$0x0], $0xffff;
	v1 =	vmul.f32 v20, v12;
	v4 =	vmul.f32 v24, v17;
	v6 =	vadd.f32 v5, v9  }
0x3f: {  	s23 =	simm.s32 $0x0;
	s18 =	simm.s32 $0xC00;
	s19 =	simm.s32 $0xBF0;
	v5 =	vmul.f32 v19, v10;
	v9 =	vmul.f32 v21, v13;
	v10 =	vld.idx.msk [tilespmem:v8+s11+$0x0], $0xffff  }
0x40: {  	s20 =	simm.s32 $0x2500;
	s21 =	simm.s32 $0x1880;
	s24 =	simm.s32 $0xC0;
	v8 =	vmul.f32 v23, v16;
	v12 =	vadd.f32 v15, v25;
	[tilespmem:s22+$0x30] =	vst v6;
	v6 =	vmul.f32 v22, v14  }
.LBB2_2:
0x41: {  	v13 =	vld [tilespmem:s24+$0x30];
	s23 =	sadd.s32 $0x80, s23;
	v5 =	vadd.f32 v5, v7  }
0x42: {  	v0 =	vadd.f32 v1, v0;
	v7 =	vld [tilespmem:s24+$0xFFFFFFD0];
	p0 =	slt.u32 s23, $0xB80;
	[tilespmem:s22+$0xFFFFFFC0] =	vst v12  }
0x43: {  	v1 =	vadd.f32 v9, v2;
	v12 =	vld [tilespmem:s24+$0xFFFFFFE0];
	[tilespmem:s22+$0xFFFFFFD0] =	vst v5  }
0x44: {  	v2 =	vld [tilespmem:s24+$0xFFFFFFF0];
	[tilespmem:s22+$0xFFFFFFE0] =	vst v0;
	v0 =	vadd.f32 v6, v3  }
0x45: {  	v3 =	vld [tilespmem:s24+$0x0];
	[tilespmem:s22+$0xFFFFFFF0] =	vst v1;
	v1 =	vadd.f32 v8, v10  }
0x46: {  	v10 =	vld [tilespmem:s24+$0x10];
	[tilespmem:s22+$0x0] =	vst v0;
	v0 =	vadd.f32 v4, v11  }
0x47: {  	v11 =	vld [tilespmem:s24+$0x20];
	[tilespmem:s22+$0x10] =	vst v1  }
0x48: {  	v1 =	vld [tilespmem:s24+$0xFFFFFFC0];
	[tilespmem:s22+$0x20] =	vst v0  }
0x49: {  	s17 =	sadd.s32 $0x80, s17;
	v0 =	vld.idx.msk [tilespmem:v13+s10+$0x0], $0xffff  }
0x4a: {  	v4 =	vld [tilespmem:s17+$0x30]  }
0x4b: {  	v5 =	vld.idx.msk [tilespmem:v13+s11+$0x0], $0xffff  }
0x4c: {  	v6 =	vld.idx.msk [tilespmem:v7+s10+$0x0], $0xffff  }
0x4d: {  	v8 =	vld.idx.msk [tilespmem:v12+s10+$0x0], $0xffff  }
0x4e: {  	v9 =	vld.idx.msk [tilespmem:v2+s10+$0x0], $0xffff  }
0x4f: {  	v13 =	vld.idx.msk [tilespmem:v3+s10+$0x0], $0xffff;
	v0 =	vmul.f32 v4, v0  }
0x50: {  	v4 =	vld.idx.msk [tilespmem:v1+s10+$0x0], $0xffff  }
0x51: {  	v14 =	vld.idx.msk [tilespmem:v10+s10+$0x0], $0xffff;
	v0 =	vadd.f32 v0, v5  }
0x52: {  	s22 =	sadd.s32 $0x80, s22;
	v15 =	vld.idx.msk [tilespmem:v11+s10+$0x0], $0xffff  }
0x53: {  	v5 =	vld [tilespmem:s17+$0xFFFFFFC0];
	[tilespmem:s22+$0x30] =	vst v0  }
0x54: {  	v0 =	vld [tilespmem:s17+$0xFFFFFFD0]  }
0x55: {  	v16 =	vld [tilespmem:s17+$0xFFFFFFE0]  }
0x56: {  	v17 =	vld [tilespmem:s17+$0xFFFFFFF0]  }
0x57: {  	v18 =	vld [tilespmem:s17+$0x0]  }
0x58: {  	v19 =	vmul.f32 v5, v4;
	v4 =	vld [tilespmem:s17+$0x10]  }
0x59: {  	v5 =	vmul.f32 v0, v6;
	v20 =	vld [tilespmem:s17+$0x20]  }
0x5a: {  	v21 =	vld.idx.msk [tilespmem:v1+s11+$0x0], $0xffff;
	v1 =	vmul.f32 v16, v8  }
0x5b: {  	v7 =	vld.idx.msk [tilespmem:v7+s11+$0x0], $0xffff;
	v9 =	vmul.f32 v17, v9  }
.Ltmp0:
0x5c: {  	v0 =	vld.idx.msk [tilespmem:v12+s11+$0x0], $0xffff;
	v6 =	vmul.f32 v18, v13;
	(pc) =	sbr.rel @p0 .LBB2_2-.Ltmp0, $4  }
0x5d: {  	v2 =	vld.idx.msk [tilespmem:v2+s11+$0x0], $0xffff;
	v8 =	vmul.f32 v4, v14  }
0x5e: {  	v3 =	vld.idx.msk [tilespmem:v3+s11+$0x0], $0xffff;
	v4 =	vmul.f32 v20, v15  }
0x5f: {  	v10 =	vld.idx.msk [tilespmem:v10+s11+$0x0], $0xffff  }
0x60: {  	s24 =	sadd.s32 $0x80, s24;
	v12 =	vadd.f32 v19, v21;
	v11 =	vld.idx.msk [tilespmem:v11+s11+$0x0], $0xffff  }
0x61: {  	v5 =	vadd.f32 v5, v7  }
0x62: {  	v0 =	vadd.f32 v1, v0;
	[tilespmem:s22+$0xFFFFFFC0] =	vst v12  }
0x63: {  	v60 =	vadd.f32 v9, v2;
	[tilespmem:s22+$0xFFFFFFD0] =	vst v5  }
0x64: {  	[tilespmem:s22+$0xFFFFFFE0] =	vst v0;
	v61 =	vadd.f32 v6, v3  }
0x65: {  	[tilespmem:s22+$0xFFFFFFF0] =	vst v60;
	v62 =	vadd.f32 v8, v10  }
0x66: {  	[tilespmem:s22+$0x0] =	vst v61;
	v63 =	vadd.f32 v4, v11  }
0x67: {  	[tilespmem:s22+$0x10] =	vst v62  }
0x68: {  	[tilespmem:s22+$0x20] =	vst v63  }
.LBB2_4:
0x69: {  	v0 =	vld [tilespmem:s18+$0x0];
	_ =	sdelay $0x6  }
0x6a: {  	v2 =	vld [tilespmem:s21+$0x0]  }
0x6b: {  	v1 =	vld.idx.msk [tilespmem:v0+s10+$0x0], $0xffff;
	_ =	sdelay $0x1  }
0x6c: {  	v0 =	vld.idx.msk [tilespmem:v0+s11+$0x0], $0xffff  }
0x6d: {  	s19 =	sadd.s32 $0x10, s19  }
0x6e: {  	p0 =	slt.u32 s19, $0xC30  }
.Ltmp1:
0x6f: {  	v1 =	vmul.f32 v2, v1;
	(pc) =	sbr.rel @p0 .LBB2_4-.Ltmp1, $3  }
0x70: {  	_ = 	snop  }
0x71: {  	v0 =	vadd.f32 v1, v0;
	_ =	sdelay $0x1  }
0x72: {  	s21 =	sadd.s32 $0x10, s21;
	s18 =	sadd.s32 $0x10, s18;
	[tilespmem:s20+$0x0] =	vst v0;
	s20 =	sadd.s32 $0x10, s20  }
0x73: {  	s16 =	sadd.s32 $0x1, s16  }
0x74: {  	p0 =	sne.s32 s16, s8  }
.Ltmp2:
0x75: {  	_ = 	snop;
	(pc) =	sbr.rel @p0 .LBB2_1-.Ltmp2, $4  }
0x76: {  	[hbm4b:s7+s4] =	stream.linear.scatter [tilespmem:s14], [sflag:$0x3], $0xC40, $0x38;
	[tilespmem:$0x2680] =	vst v63  }
0x77: {  	_ =	swait.ge [sflag:s15], $0xC40  }
0x78: {  	[sflag:s15] =	ssyncset.done $0x0  }
0x79: {  	[sflag:s15] =	ssyncadd.s32 $0xFFFFF3C0  }
0x7a: {  	_ =	sfence.sel $0x180000  }
0x7b: {  	[bflag:$0x0] =	sbarrier.arrive $0xFFFF  }
0x7c: {  	p0 =	sne.s32 s0, $0x0;
	_ =	strace $0x90000047  }
0x7d: {  	s0 =	sadd.s32 @!p0 $0x100000, s1;
	[bflag:$0x2] =	sbarrier.arrive $0xFFFF  }
0x7e: {  	[sflag:s0] =	ssyncadd.tile.s32 @!p0 $0x1;
	_ =	shalt  }
.Lfunc_end2:
_tile_overlayer_lowered:
.L_overlay_start_2:
0x7f: {  	(tag) =	ssettag $0x2  }
0x80: {  	s0 =	rddreg [dreg:$0x0];
	s2 =	stileid.u32  }
0x81: {  	s1 =	rddreg [dreg:$0x1];
	p0 =	sne.s32 s2, $0x0  }
0x82: {  	s3 =	rddreg [dreg:$0x2];
	[bflag:$0x3] =	sbarrier.arrive $0xFFFF;
	s2 =	simm.s32 @!p0 $0x1C03  }
0x83: {  	[timem:s3], [sflag:s2] =	dma.local @!p0 [hbm:s0], s1  }
0x84: {  	s0 =	simm.s32 @!p0 $0x3  }
0x85: {  	_ =	swait.ge @!p0 [sflag:s0], s1  }
0x86: {  	s1 =	ssub.s32 @!p0 $0x0, s1;
	[sflag:s0] =	ssyncset.done @!p0 $0x0  }
0x87: {  	[sflag:s0] =	ssyncadd.s32 @!p0 s1  }
0x88: {  	[bflag:$0x3] =	sbarrier.arrive $0xFFFF  }
0x89: {  	_ =	shalt  }

</sc_bundles>
